<compile_context>
chip_gen: v7x
topology: tpu7x:2x2x1
jax: 0.10.2.dev20260603
libtpu: 0.0.44.dev20260713+nightly
codegen_flags: <defaults>
</compile_context>

<pallas_src>
import functools

import jax
import jax.numpy as jnp
from jax import lax
from jax.experimental import pallas as pl
from jax.experimental.pallas import tpu as pltpu
from jax.experimental.pallas import tpu_sc as plsc

_SUBRATE = 0.1
_VB = 1000
_SEG = 25000
_NWORKERS = 32


def _gather_rows(item_embs, qids):
    nq = qids.shape[0]
    v, d = item_embs.shape
    per_w = nq // _NWORKERS
    mesh = plsc.VectorSubcoreMesh(core_axis_name="c", subcore_axis_name="s")

    @functools.partial(
        pl.kernel,
        mesh=mesh,
        compiler_params=pltpu.CompilerParams(use_tc_tiling_on_sc=False),
        out_type=jax.ShapeDtypeStruct((nq, d), jnp.float32),
        scratch_types=[
            pltpu.VMEM((per_w,), jnp.int32),
            pltpu.VMEM((per_w, d), jnp.float32),
            pltpu.SemaphoreType.DMA,
        ],
    )
    def gk(table_hbm, idx_hbm, out_hbm, idx_v, rows_v, sem):
        wid = lax.axis_index("s") * 2 + lax.axis_index("c")
        base = wid * per_w
        pltpu.sync_copy(idx_hbm.at[pl.ds(base, per_w)], idx_v)
        pltpu.async_copy(table_hbm.at[idx_v], rows_v, sem).wait()
        pltpu.sync_copy(rows_v, out_hbm.at[pl.ds(base, per_w)])

    return gk(item_embs, qids)


def _top1_body(qt_ref, qids_ref, e_ref, r_ref, pick_ref, segm_ref, segi_ref):
    i = pl.program_id(0)
    vb, nq = e_ref.shape[0], qt_ref.shape[1]
    per_seg = _SEG // vb
    scores = jnp.dot(e_ref[...], qt_ref[...], preferred_element_type=jnp.float32)
    liota = lax.broadcasted_iota(jnp.int32, (vb, nq), 0)
    qs = qids_ref[...] - i * vb
    masked = jnp.where(liota == qs, -jnp.inf, scores)
    bmax = jnp.max(masked, axis=0, keepdims=True)
    bidx = jnp.argmax(masked, axis=0).astype(jnp.int32)[None, :] + i * vb

    @pl.when(i % per_seg == 0)
    def _():
        segm_ref[...] = bmax
        segi_ref[...] = bidx

    @pl.when(i % per_seg != 0)
    def _():
        better = bmax > segm_ref[...]
        segm_ref[...] = jnp.where(better, bmax, segm_ref[...])
        segi_ref[...] = jnp.where(better, bidx, segi_ref[...])

    @pl.when(i % per_seg == per_seg - 1)
    def _():
        win = segm_ref[...] > r_ref[...]
        q16 = segm_ref[...].astype(jnp.bfloat16).astype(jnp.float32)
        first_seg = i == per_seg - 1
        r_ref[...] = jnp.where(first_seg | win, q16, r_ref[...])
        pick_ref[...] = jnp.where(first_seg | win, segi_ref[...], pick_ref[...])


def _top1_call(qt, qids_row, item_embs_bf16):
    d, nq = qt.shape
    v = item_embs_bf16.shape[0]
    nb = v // _VB
    _, pick = pl.pallas_call(
        _top1_body,
        grid=(nb,),
        in_specs=[
            pl.BlockSpec((d, nq), lambda i: (0, 0)),
            pl.BlockSpec((1, nq), lambda i: (0, 0)),
            pl.BlockSpec((_VB, d), lambda i: (i, 0)),
        ],
        out_specs=[
            pl.BlockSpec((1, nq), lambda i: (0, 0)),
            pl.BlockSpec((1, nq), lambda i: (0, 0)),
        ],
        out_shape=[
            jax.ShapeDtypeStruct((1, nq), jnp.float32),
            jax.ShapeDtypeStruct((1, nq), jnp.int32),
        ],
        scratch_shapes=[
            pltpu.VMEM((1, nq), jnp.float32),
            pltpu.VMEM((1, nq), jnp.int32),
        ],
    )(qt, qids_row, item_embs_bf16)
    return pick


def _scatter_body(seq_ref, pos_ref, sub_ref, nsub_ref, out_ref):
    b, l = seq_ref.shape
    nmax = pos_ref.shape[1]
    lane = lax.broadcasted_iota(jnp.int32, (b, l), 1)
    out = seq_ref[...]
    for j in range(nmax):
        active = (lane == pos_ref[:, j : j + 1]) & (j < nsub_ref[...])
        out = jnp.where(active, sub_ref[:, j : j + 1], out)
    out_ref[...] = out


def _scatter_call(seq, pos, subs, nsub):
    b, l = seq.shape
    nmax = pos.shape[1]
    return pl.pallas_call(
        _scatter_body,
        in_specs=[
            pl.BlockSpec((b, l), lambda: (0, 0)),
            pl.BlockSpec((b, nmax), lambda: (0, 0)),
            pl.BlockSpec((b, nmax), lambda: (0, 0)),
            pl.BlockSpec((b, 1), lambda: (0, 0)),
        ],
        out_specs=pl.BlockSpec((b, l), lambda: (0, 0)),
        out_shape=jax.ShapeDtypeStruct((b, l), jnp.int32),
    )(seq, pos, subs, nsub)


def kernel(sequences, seq_lens, item_embs):
    b, l = sequences.shape
    nmax = max(1, int(_SUBRATE * l))

    sub_len = jnp.maximum(1, (_SUBRATE * seq_lens).astype(jnp.int32))
    r = jax.random.uniform(jax.random.key(42), (b, l))
    valid = jnp.arange(l)[None, :] < seq_lens[:, None]
    r = jnp.where(valid, r, jnp.inf)
    order = jnp.argsort(r, axis=1)
    pos = order[:, :nmax].astype(jnp.int32)

    seq_i32 = sequences.astype(jnp.int32)
    qids = jnp.take_along_axis(seq_i32, pos, axis=1).reshape(-1)

    q = _gather_rows(item_embs, qids)
    qt = q.T.astype(jnp.bfloat16)
    ebf = item_embs.astype(jnp.bfloat16)
    pick = _top1_call(qt, qids[None, :], ebf)

    out = _scatter_call(seq_i32, pos, pick.reshape(b, nmax), sub_len[:, None])
    return out.astype(sequences.dtype), seq_lens

# --- scband reference (transcript-rebuilt; emitter-appended) ---
"""Pipeline reference for scband-item-substitute-16801912062151 (READ-ONLY COPY).

The authoritative reference and input builder live on the scoring server;
editing this copy changes nothing except your own understanding.
"""

import jax, jax.numpy as jnp
import numpy as np

V, D, B, L = 100000, 16, 1024, 50
SUB_RATE = 0.1
CHUNK = 512


def setup_inputs(seed: int = 0) -> dict:
    key = jax.random.key(seed)
    k1, k2, k3 = jax.random.split(key, 3)
    sequences = jax.random.randint(k1, (B, L), 0, V, dtype=jnp.int64) if jax.config.jax_enable_x64 else jax.random.randint(k1, (B, L), 0, V).astype(jnp.int32)
    seq_lens = jax.random.randint(k2, (B,), 10, L + 1).astype(jnp.int32)
    item_embs = jax.random.normal(k3, (V, D), dtype=jnp.float32)
    return {"sequences": sequences, "seq_lens": seq_lens, "item_embs": item_embs}


def _substitute_mask(key, seq_lens, seq_len_dim):
    # deterministic stand-in for np.random.choice(seq_len, sub_len, replace=False)
    bsz = seq_lens.shape[0]
    sub_len = jnp.maximum(1, (SUB_RATE * seq_lens).astype(jnp.int32))
    r = jax.random.uniform(key, (bsz, seq_len_dim))
    pos = jnp.arange(seq_len_dim)[None, :]
    valid = pos < seq_lens[:, None]
    r = jnp.where(valid, r, jnp.inf)
    order = jnp.argsort(r, axis=1)
    rank = jnp.argsort(order, axis=1)
    return (rank < sub_len[:, None]) & valid


def reference(sequences, seq_lens, item_embs):
    bsz, seq_len_dim = sequences.shape
    mask = _substitute_mask(jax.random.key(42), seq_lens, seq_len_dim)
    flat_seq = sequences.reshape(-1)
    flat_mask = mask.reshape(-1)
    n = flat_seq.shape[0]
    n_pad = ((n + CHUNK - 1) // CHUNK) * CHUNK
    padded = jnp.pad(flat_seq, (0, n_pad - n))
    chunks = padded.reshape(n_pad // CHUNK, CHUNK)

    def _top1(items):
        q = jnp.take(item_embs, items, axis=0)          # gather queries
        scores = q @ item_embs.T                         # similarity vs full table
        # exclude the item itself (item_similarity_model returns a different top-1)
        scores = jnp.where(jnp.arange(item_embs.shape[0])[None, :] == items[:, None], -jnp.inf, scores)
        return jnp.argmax(scores, axis=1)

    substitute_items = jax.lax.map(_top1, chunks).reshape(-1)[:n].astype(flat_seq.dtype)
    new_flat = jnp.where(flat_mask, substitute_items, flat_seq)
    substituted_sequences = new_flat.reshape(bsz, seq_len_dim)
    return substituted_sequences, seq_lens

if __name__ == "__main__":
    import jax
    _d = setup_inputs()
    print(jax.jit(kernel)(*tuple(_d.values())))

</pallas_src>

<mosaic_0001>
#map = affine_map<(d0, d1) -> (0, 0)>
#map1 = affine_map<(d0, d1) -> (0)>
module attributes {stable_mosaic.version = 14 : i64} {
  func.func @gk(%arg0: i32, %arg1: i32, %arg2: memref<100000x16xf32, #tpu.memory_space<hbm>>, %arg3: memref<5120xi32, #tpu.memory_space<hbm>>, %arg4: memref<5120x16xf32, #tpu.memory_space<hbm>>, %arg5: memref<160xi32, #tpu.memory_space<vmem>>, %arg6: memref<160x16xf32, #tpu.memory_space<vmem>>, %arg7: memref<!tpu.dma_semaphore, #tpu.memory_space<semaphore_mem>>) attributes {dimension_semantics = [#tpu.dimension_semantics<core_parallel>, #tpu.dimension_semantics<subcore_parallel>], iteration_bounds = array<i64: 2, 16>, scalar_prefetch = 0 : i64, scratch_operands = 3 : i64, tpu.core_type = #tpu.core_type<sc_vector_subcore>, window_params = [{transform_indices = #map}, {transform_indices = #map1}, {transform_indices = #map}]} {
    %mul3A = arith.constant 2 : i32
    %mul3A_0 = arith.muli %arg1, %mul3A : i32
    %add3A = arith.addi %mul3A_0, %arg0 : i32
    %mul3A_1 = arith.constant 160 : i32
    %mul3A_2 = arith.muli %add3A, %mul3A_1 : i32
    "tpu.region"() ({
      %run_scoped3A = tpu.sem_alloc : memref<!tpu.dma_semaphore, #tpu.memory_space<semaphore_mem>>
      %dma_start3A_7 = tpu.memref_slice %arg3[%mul3A_2] : memref<5120xi32, #tpu.memory_space<hbm>> -> memref<160xi32, #tpu.memory_space<hbm>>
      %dma_start3A_8 = tpu.memref_slice %arg3[%mul3A_2] : memref<5120xi32, #tpu.memory_space<hbm>> -> memref<160xi32, #tpu.memory_space<hbm>>
      tpu.enqueue_dma source(%dma_start3A_8 : memref<160xi32, #tpu.memory_space<hbm>>) target(%arg5 : memref<160xi32, #tpu.memory_space<vmem>>) target_semaphore(%run_scoped3A : memref<!tpu.dma_semaphore, #tpu.memory_space<semaphore_mem>>)
      %dma_wait3A_9 = tpu.memref_slice %arg3[%mul3A_2] : memref<5120xi32, #tpu.memory_space<hbm>> -> memref<160xi32, #tpu.memory_space<hbm>>
      %dma_wait3A_10 = tpu.memref_slice %arg3[%mul3A_2] : memref<5120xi32, #tpu.memory_space<hbm>> -> memref<160xi32, #tpu.memory_space<hbm>>
      tpu.wait_dma2 semaphore(%run_scoped3A : memref<!tpu.dma_semaphore, #tpu.memory_space<semaphore_mem>>) src(%dma_wait3A_10 : memref<160xi32, #tpu.memory_space<hbm>>) dst(%arg5 : memref<160xi32, #tpu.memory_space<vmem>>)
      tpu.yield
    }) : () -> ()
    %dma_start3A = arith.constant 0 : i32
    %dma_start3A_3 = arith.constant 0 : i32
    %dma_start3A_4 = tpu.memref_slice %arg2[%dma_start3A, %dma_start3A_3] : memref<100000x16xf32, #tpu.memory_space<hbm>> -> memref<100000x16xf32, #tpu.memory_space<hbm>>
    tpu.enqueue_indirect_dma source(%dma_start3A_4 : memref<100000x16xf32, #tpu.memory_space<hbm>>) target(%arg6 : memref<160x16xf32, #tpu.memory_space<vmem>>) offsets(%arg5 : memref<160xi32, #tpu.memory_space<vmem>>) semaphore(%arg7 : memref<!tpu.dma_semaphore, #tpu.memory_space<semaphore_mem>>)
    %dma_wait3A = arith.constant 0 : i32
    %dma_wait3A_5 = arith.constant 0 : i32
    %dma_wait3A_6 = tpu.memref_slice %arg2[%dma_wait3A, %dma_wait3A_5] : memref<100000x16xf32, #tpu.memory_space<hbm>> -> memref<100000x16xf32, #tpu.memory_space<hbm>>
    tpu.wait_indirect_dma semaphore(%arg7 : memref<!tpu.dma_semaphore, #tpu.memory_space<semaphore_mem>>) src(%dma_wait3A_6 : memref<100000x16xf32, #tpu.memory_space<hbm>>) dst(%arg6 : memref<160x16xf32, #tpu.memory_space<vmem>>)
    "tpu.region"() ({
      %run_scoped3A = tpu.sem_alloc : memref<!tpu.dma_semaphore, #tpu.memory_space<semaphore_mem>>
      %dma_start3A_7 = arith.constant 0 : i32
      %dma_start3A_8 = tpu.memref_slice %arg4[%mul3A_2, %dma_start3A_7] : memref<5120x16xf32, #tpu.memory_space<hbm>> -> memref<160x16xf32, #tpu.memory_space<hbm>>
      %dma_start3A_9 = arith.constant 0 : i32
      %dma_start3A_10 = tpu.memref_slice %arg4[%mul3A_2, %dma_start3A_9] : memref<5120x16xf32, #tpu.memory_space<hbm>> -> memref<160x16xf32, #tpu.memory_space<hbm>>
      tpu.enqueue_dma source(%arg6 : memref<160x16xf32, #tpu.memory_space<vmem>>) target(%dma_start3A_10 : memref<160x16xf32, #tpu.memory_space<hbm>>) target_semaphore(%run_scoped3A : memref<!tpu.dma_semaphore, #tpu.memory_space<semaphore_mem>>)
      %dma_wait3A_11 = arith.constant 0 : i32
      %dma_wait3A_12 = tpu.memref_slice %arg4[%mul3A_2, %dma_wait3A_11] : memref<5120x16xf32, #tpu.memory_space<hbm>> -> memref<160x16xf32, #tpu.memory_space<hbm>>
      %dma_wait3A_13 = arith.constant 0 : i32
      %dma_wait3A_14 = tpu.memref_slice %arg4[%mul3A_2, %dma_wait3A_13] : memref<5120x16xf32, #tpu.memory_space<hbm>> -> memref<160x16xf32, #tpu.memory_space<hbm>>
      tpu.wait_dma2 semaphore(%run_scoped3A : memref<!tpu.dma_semaphore, #tpu.memory_space<semaphore_mem>>) src(%arg6 : memref<160x16xf32, #tpu.memory_space<vmem>>) dst(%dma_wait3A_14 : memref<160x16xf32, #tpu.memory_space<hbm>>)
      tpu.yield
    }) : () -> ()
    return
  }
}

module attributes {stable_mosaic.version = 14 : i64} {
  func.func @_top1_body(%arg0: i32, %arg1: memref<16x5120xbf16, #tpu.memory_space<vmem>>, %arg2: memref<1x5120xi32, #tpu.memory_space<vmem>>, %arg3: memref<1000x16xbf16, #tpu.memory_space<vmem>>, %arg4: memref<1x5120xf32, #tpu.memory_space<vmem>>, %arg5: memref<1x5120xi32, #tpu.memory_space<vmem>>, %arg6: memref<1x5120xf32, #tpu.memory_space<vmem>>, %arg7: memref<1x5120xi32, #tpu.memory_space<vmem>>) attributes {dimension_semantics = [#tpu.dimension_semantics<arbitrary>], iteration_bounds = array<i64: 100>, scalar_prefetch = 0 : i64, scratch_operands = 2 : i64, tpu.core_type = #tpu.core_type<tc>, window_params = [{pipeline_mode = #tpu.pipeline_mode<synchronous>, transform_indices = @transform_0, window_bounds = array<i64: 16, 5120>}, {pipeline_mode = #tpu.pipeline_mode<synchronous>, transform_indices = @transform_1, window_bounds = array<i64: 1, 5120>}, {transform_indices = @transform_2, window_bounds = array<i64: 1000, 16>}, {pipeline_mode = #tpu.pipeline_mode<synchronous>, transform_indices = @transform_3, window_bounds = array<i64: 1, 5120>}, {pipeline_mode = #tpu.pipeline_mode<synchronous>, transform_indices = @transform_4, window_bounds = array<i64: 1, 5120>}]} {
    %get3A = arith.constant 0 : index
    %get3A_0 = arith.constant 0 : index
    %get3A_1 = vector.load %arg3[%get3A, %get3A_0] : memref<1000x16xbf16, #tpu.memory_space<vmem>>, vector<1000x16xbf16>
    %get3A_2 = arith.constant 0 : index
    %get3A_3 = arith.constant 0 : index
    %get3A_4 = vector.load %arg1[%get3A_2, %get3A_3] : memref<16x5120xbf16, #tpu.memory_space<vmem>>, vector<16x5120xbf16>
    %dot_general3A = arith.constant dense<0.000000e+00> : vector<1000x5120xf32>
    %dot_general3A_5 = tpu.matmul %get3A_1, %get3A_4, %dot_general3A {dimension_numbers = #tpu.dot_dimension_numbers<[1], [0], [0], [1], [0, 0, 1, 1], [], []>, transpose_lhs_hint = false} : vector<1000x16xbf16>, vector<16x5120xbf16>, vector<1000x5120xf32> -> vector<1000x5120xf32>
    %iota3A = tpu.iota {dimensions = array<i32: 0>} : vector<1000x5120xi32>
    %get3A_6 = arith.constant 0 : index
    %get3A_7 = arith.constant 0 : index
    %get3A_8 = vector.load %arg2[%get3A_6, %get3A_7] : memref<1x5120xi32, #tpu.memory_space<vmem>>, vector<1x5120xi32>
    %mul3A = arith.constant 1000 : i32
    %mul3A_9 = arith.muli %arg0, %mul3A : i32
    %sub3A = vector.broadcast %mul3A_9 : i32 to vector<1x5120xi32>
    %sub3A_10 = arith.subi %get3A_8, %sub3A : vector<1x5120xi32>
    %eq3A = vector.broadcast %sub3A_10 : vector<1x5120xi32> to vector<1000x5120xi32>
    %eq3A_11 = arith.cmpi eq, %iota3A, %eq3A : vector<1000x5120xi32>
    %jit3A = arith.constant 0xFF800000 : f32
    %broadcast_in_dim3A = vector.broadcast %jit3A : f32 to vector<1000x5120xf32>
    %select_n3A = arith.select %eq3A_11, %broadcast_in_dim3A, %dot_general3A_5 : vector<1000x5120xi1>, vector<1000x5120xf32>
    %reduce_max3A = arith.constant dense<0xFF800000> : vector<5120xf32>
    %reduce_max3A_12 = vector.multi_reduction <maximumf>, %select_n3A, %reduce_max3A [0] : vector<1000x5120xf32> to vector<5120xf32>
    %broadcast_in_dim3A_13 = vector.shape_cast %reduce_max3A_12 : vector<5120xf32> to vector<1x5120xf32>
    %argmax3A = tpu.reduce_index %select_n3A {axis = 0 : i32, kind = #tpu.reduction_kind<arg_max>} : vector<1000x5120xf32> -> vector<5120xi32>
    %broadcast_in_dim3A_14 = vector.shape_cast %argmax3A : vector<5120xi32> to vector<1x5120xi32>
    %mul3A_15 = arith.constant 1000 : i32
    %mul3A_16 = arith.muli %arg0, %mul3A_15 : i32
    %add3A = vector.broadcast %mul3A_16 : i32 to vector<1x5120xi32>
    %add3A_17 = arith.addi %broadcast_in_dim3A_14, %add3A : vector<1x5120xi32>
    %jit3A_18 = arith.constant 25 : i32
    %eq3A_19 = arith.constant 0 : i32
    %eq3A_20 = arith.cmpi eq, %jit3A_18, %eq3A_19 : i32
    %jit3A_21 = arith.constant 1 : i32
    %select_n3A_22 = arith.select %eq3A_20, %jit3A_21, %jit3A_18 : i32
    %rem3A = arith.remsi %arg0, %select_n3A_22 : i32
    %ne3A = arith.constant 0 : i32
    %ne3A_23 = arith.cmpi ne, %rem3A, %ne3A : i32
    %lt3A = arith.constant 0 : i32
    %lt3A_24 = arith.cmpi slt, %rem3A, %lt3A : i32
    %lt3A_25 = arith.constant 0 : i32
    %lt3A_26 = arith.cmpi slt, %select_n3A_22, %lt3A_25 : i32
    %ne3A_27 = arith.xori %lt3A_24, %lt3A_26 : i1
    %and3A = arith.andi %ne3A_27, %ne3A_23 : i1
    %add3A_28 = arith.addi %rem3A, %select_n3A_22 : i32
    %select_n3A_29 = arith.select %and3A, %add3A_28, %rem3A : i32
    %eq3A_30 = arith.constant 0 : i32
    %eq3A_31 = arith.cmpi eq, %select_n3A_29, %eq3A_30 : i32
    %convert_element_type3A = arith.extui %eq3A_31 : i1 to i32
    %cond3A = arith.constant 0 : i32
    %cond3A_32 = arith.cmpi ne, %convert_element_type3A, %cond3A : i32
    scf.if %cond3A_32 {
      %swap3A = arith.constant 0 : index
      %swap3A_75 = arith.constant 0 : index
      %swap3A_76 = vector.load %arg6[%swap3A, %swap3A_75] : memref<1x5120xf32, #tpu.memory_space<vmem>>, vector<1x5120xf32>
      tpu.vector_store %arg6[%swap3A, %swap3A_75], %broadcast_in_dim3A_13 {strides = array<i32>} : memref<1x5120xf32, #tpu.memory_space<vmem>>, vector<1x5120xf32>,
      %swap3A_77 = arith.constant 0 : index
      %swap3A_78 = arith.constant 0 : index
      %swap3A_79 = vector.load %arg7[%swap3A_77, %swap3A_78] : memref<1x5120xi32, #tpu.memory_space<vmem>>, vector<1x5120xi32>
      tpu.vector_store %arg7[%swap3A_77, %swap3A_78], %add3A_17 {strides = array<i32>} : memref<1x5120xi32, #tpu.memory_space<vmem>>, vector<1x5120xi32>,
    } else {
    }
    %jit3A_33 = arith.constant 25 : i32
    %eq3A_34 = arith.constant 0 : i32
    %eq3A_35 = arith.cmpi eq, %jit3A_33, %eq3A_34 : i32
    %jit3A_36 = arith.constant 1 : i32
    %select_n3A_37 = arith.select %eq3A_35, %jit3A_36, %jit3A_33 : i32
    %rem3A_38 = arith.remsi %arg0, %select_n3A_37 : i32
    %ne3A_39 = arith.constant 0 : i32
    %ne3A_40 = arith.cmpi ne, %rem3A_38, %ne3A_39 : i32
    %lt3A_41 = arith.constant 0 : i32
    %lt3A_42 = arith.cmpi slt, %rem3A_38, %lt3A_41 : i32
    %lt3A_43 = arith.constant 0 : i32
    %lt3A_44 = arith.cmpi slt, %select_n3A_37, %lt3A_43 : i32
    %ne3A_45 = arith.xori %lt3A_42, %lt3A_44 : i1
    %and3A_46 = arith.andi %ne3A_45, %ne3A_40 : i1
    %add3A_47 = arith.addi %rem3A_38, %select_n3A_37 : i32
    %select_n3A_48 = arith.select %and3A_46, %add3A_47, %rem3A_38 : i32
    %ne3A_49 = arith.constant 0 : i32
    %ne3A_50 = arith.cmpi ne, %select_n3A_48, %ne3A_49 : i32
    %convert_element_type3A_51 = arith.extui %ne3A_50 : i1 to i32
    %cond3A_52 = arith.constant 0 : i32
    %cond3A_53 = arith.cmpi ne, %convert_element_type3A_51, %cond3A_52 : i32
    scf.if %cond3A_53 {
      %get3A_75 = arith.constant 0 : index
      %get3A_76 = arith.constant 0 : index
      %get3A_77 = vector.load %arg6[%get3A_75, %get3A_76] : memref<1x5120xf32, #tpu.memory_space<vmem>>, vector<1x5120xf32>
      %gt3A = arith.cmpf ogt, %broadcast_in_dim3A_13, %get3A_77 : vector<1x5120xf32>
      %get3A_78 = arith.constant 0 : index
      %get3A_79 = arith.constant 0 : index
      %get3A_80 = vector.load %arg6[%get3A_78, %get3A_79] : memref<1x5120xf32, #tpu.memory_space<vmem>>, vector<1x5120xf32>
      %select_n3A_81 = arith.select %gt3A, %broadcast_in_dim3A_13, %get3A_80 : vector<1x5120xi1>, vector<1x5120xf32>
      %swap3A = arith.constant 0 : index
      %swap3A_82 = arith.constant 0 : index
      %swap3A_83 = vector.load %arg6[%swap3A, %swap3A_82] : memref<1x5120xf32, #tpu.memory_space<vmem>>, vector<1x5120xf32>
      tpu.vector_store %arg6[%swap3A, %swap3A_82], %select_n3A_81 {strides = array<i32>} : memref<1x5120xf32, #tpu.memory_space<vmem>>, vector<1x5120xf32>,
      %get3A_84 = arith.constant 0 : index
      %get3A_85 = arith.constant 0 : index
      %get3A_86 = vector.load %arg7[%get3A_84, %get3A_85] : memref<1x5120xi32, #tpu.memory_space<vmem>>, vector<1x5120xi32>
      %select_n3A_87 = arith.select %gt3A, %add3A_17, %get3A_86 : vector<1x5120xi1>, vector<1x5120xi32>
      %swap3A_88 = arith.constant 0 : index
      %swap3A_89 = arith.constant 0 : index
      %swap3A_90 = vector.load %arg7[%swap3A_88, %swap3A_89] : memref<1x5120xi32, #tpu.memory_space<vmem>>, vector<1x5120xi32>
      tpu.vector_store %arg7[%swap3A_88, %swap3A_89], %select_n3A_87 {strides = array<i32>} : memref<1x5120xi32, #tpu.memory_space<vmem>>, vector<1x5120xi32>,
    } else {
    }
    %jit3A_54 = arith.constant 25 : i32
    %eq3A_55 = arith.constant 0 : i32
    %eq3A_56 = arith.cmpi eq, %jit3A_54, %eq3A_55 : i32
    %jit3A_57 = arith.constant 1 : i32
    %select_n3A_58 = arith.select %eq3A_56, %jit3A_57, %jit3A_54 : i32
    %rem3A_59 = arith.remsi %arg0, %select_n3A_58 : i32
    %ne3A_60 = arith.constant 0 : i32
    %ne3A_61 = arith.cmpi ne, %rem3A_59, %ne3A_60 : i32
    %lt3A_62 = arith.constant 0 : i32
    %lt3A_63 = arith.cmpi slt, %rem3A_59, %lt3A_62 : i32
    %lt3A_64 = arith.constant 0 : i32
    %lt3A_65 = arith.cmpi slt, %select_n3A_58, %lt3A_64 : i32
    %ne3A_66 = arith.xori %lt3A_63, %lt3A_65 : i1
    %and3A_67 = arith.andi %ne3A_66, %ne3A_61 : i1
    %add3A_68 = arith.addi %rem3A_59, %select_n3A_58 : i32
    %select_n3A_69 = arith.select %and3A_67, %add3A_68, %rem3A_59 : i32
    %eq3A_70 = arith.constant 24 : i32
    %eq3A_71 = arith.cmpi eq, %select_n3A_69, %eq3A_70 : i32
    %convert_element_type3A_72 = arith.extui %eq3A_71 : i1 to i32
    %cond3A_73 = arith.constant 0 : i32
    %cond3A_74 = arith.cmpi ne, %convert_element_type3A_72, %cond3A_73 : i32
    scf.if %cond3A_74 {
      %get3A_75 = arith.constant 0 : index
      %get3A_76 = arith.constant 0 : index
      %get3A_77 = vector.load %arg6[%get3A_75, %get3A_76] : memref<1x5120xf32, #tpu.memory_space<vmem>>, vector<1x5120xf32>
      %get3A_78 = arith.constant 0 : index
      %get3A_79 = arith.constant 0 : index
      %get3A_80 = vector.load %arg4[%get3A_78, %get3A_79] : memref<1x5120xf32, #tpu.memory_space<vmem>>, vector<1x5120xf32>
      %gt3A = arith.cmpf ogt, %get3A_77, %get3A_80 : vector<1x5120xf32>
      %get3A_81 = arith.constant 0 : index
      %get3A_82 = arith.constant 0 : index
      %get3A_83 = vector.load %arg6[%get3A_81, %get3A_82] : memref<1x5120xf32, #tpu.memory_space<vmem>>, vector<1x5120xf32>
      %convert_element_type3A_84 = arith.truncf %get3A_83 : vector<1x5120xf32> to vector<1x5120xbf16>
      %convert_element_type3A_85 = arith.extf %convert_element_type3A_84 : vector<1x5120xbf16> to vector<1x5120xf32>
      %eq3A_86 = arith.constant 24 : i32
      %eq3A_87 = arith.cmpi eq, %arg0, %eq3A_86 : i32
      %or3A = vector.broadcast %eq3A_87 : i1 to vector<1x5120xi1>
      %or3A_88 = arith.ori %or3A, %gt3A : vector<1x5120xi1>
      %get3A_89 = arith.constant 0 : index
      %get3A_90 = arith.constant 0 : index
      %get3A_91 = vector.load %arg4[%get3A_89, %get3A_90] : memref<1x5120xf32, #tpu.memory_space<vmem>>, vector<1x5120xf32>
      %select_n3A_92 = arith.select %or3A_88, %convert_element_type3A_85, %get3A_91 : vector<1x5120xi1>, vector<1x5120xf32>
      %swap3A = arith.constant 0 : index
      %swap3A_93 = arith.constant 0 : index
      %swap3A_94 = vector.load %arg4[%swap3A, %swap3A_93] : memref<1x5120xf32, #tpu.memory_space<vmem>>, vector<1x5120xf32>
      tpu.vector_store %arg4[%swap3A, %swap3A_93], %select_n3A_92 {strides = array<i32>} : memref<1x5120xf32, #tpu.memory_space<vmem>>, vector<1x5120xf32>,
      %or3A_95 = vector.broadcast %eq3A_87 : i1 to vector<1x5120xi1>
      %or3A_96 = arith.ori %or3A_95, %gt3A : vector<1x5120xi1>
      %get3A_97 = arith.constant 0 : index
      %get3A_98 = arith.constant 0 : index
      %get3A_99 = vector.load %arg7[%get3A_97, %get3A_98] : memref<1x5120xi32, #tpu.memory_space<vmem>>, vector<1x5120xi32>
      %get3A_100 = arith.constant 0 : index
      %get3A_101 = arith.constant 0 : index
      %get3A_102 = vector.load %arg5[%get3A_100, %get3A_101] : memref<1x5120xi32, #tpu.memory_space<vmem>>, vector<1x5120xi32>
      %select_n3A_103 = arith.select %or3A_96, %get3A_99, %get3A_102 : vector<1x5120xi1>, vector<1x5120xi32>
      %swap3A_104 = arith.constant 0 : index
      %swap3A_105 = arith.constant 0 : index
      %swap3A_106 = vector.load %arg5[%swap3A_104, %swap3A_105] : memref<1x5120xi32, #tpu.memory_space<vmem>>, vector<1x5120xi32>
      tpu.vector_store %arg5[%swap3A_104, %swap3A_105], %select_n3A_103 {strides = array<i32>} : memref<1x5120xi32, #tpu.memory_space<vmem>>, vector<1x5120xi32>,
    } else {
    }
    return
  }
  func.func @transform_0(%arg0: i32) -> (i32, i32) {
    %c0_i32 = arith.constant 0 : i32
    %c0_i32_0 = arith.constant 0 : i32
    %c0_i32_1 = arith.constant 0 : i32
    return %c0_i32, %c0_i32_0 : i32, i32
  }
  func.func @transform_1(%arg0: i32) -> (i32, i32) {
    %c0_i32 = arith.constant 0 : i32
    %c0_i32_0 = arith.constant 0 : i32
    %c0_i32_1 = arith.constant 0 : i32
    return %c0_i32, %c0_i32_0 : i32, i32
  }
  func.func @transform_2(%arg0: i32) -> (i32, i32) {
    %c0_i32 = arith.constant 0 : i32
    %c0_i32_0 = arith.constant 0 : i32
    return %arg0, %c0_i32 : i32, i32
  }
  func.func @transform_3(%arg0: i32) -> (i32, i32) {
    %c0_i32 = arith.constant 0 : i32
    %c0_i32_0 = arith.constant 0 : i32
    %c0_i32_1 = arith.constant 0 : i32
    return %c0_i32, %c0_i32_0 : i32, i32
  }
  func.func @transform_4(%arg0: i32) -> (i32, i32) {
    %c0_i32 = arith.constant 0 : i32
    %c0_i32_0 = arith.constant 0 : i32
    %c0_i32_1 = arith.constant 0 : i32
    return %c0_i32, %c0_i32_0 : i32, i32
  }
}

module attributes {stable_mosaic.version = 14 : i64} {
  func.func @_scatter_body(%arg0: memref<1024x50xi32, #tpu.memory_space<vmem>>, %arg1: memref<1024x5xi32, #tpu.memory_space<vmem>>, %arg2: memref<1024x5xi32, #tpu.memory_space<vmem>>, %arg3: memref<1024x1xi32, #tpu.memory_space<vmem>>, %arg4: memref<1024x50xi32, #tpu.memory_space<vmem>>) attributes {dimension_semantics = [], scalar_prefetch = 0 : i64, scratch_operands = 0 : i64, tpu.core_type = #tpu.core_type<tc>} {
    %iota3A = tpu.iota {dimensions = array<i32: 1>} : vector<1024x50xi32>
    %get3A = arith.constant 0 : index
    %get3A_0 = arith.constant 0 : index
    %get3A_1 = vector.load %arg0[%get3A, %get3A_0] : memref<1024x50xi32, #tpu.memory_space<vmem>>, vector<1024x50xi32>
    %get3A_2 = arith.constant 0 : index
    %get3A_3 = arith.constant 0 : index
    %get3A_4 = vector.load %arg1[%get3A_2, %get3A_3] : memref<1024x5xi32, #tpu.memory_space<vmem>>, vector<1024x1xi32>
    %eq3A = vector.broadcast %get3A_4 : vector<1024x1xi32> to vector<1024x50xi32>
    %eq3A_5 = arith.cmpi eq, %iota3A, %eq3A : vector<1024x50xi32>
    %get3A_6 = arith.constant 0 : index
    %get3A_7 = arith.constant 0 : index
    %get3A_8 = vector.load %arg3[%get3A_6, %get3A_7] : memref<1024x1xi32, #tpu.memory_space<vmem>>, vector<1024x1xi32>
    %gt3A = arith.constant 0 : i32
    %gt3A_9 = vector.broadcast %gt3A : i32 to vector<1024x1xi32>
    %gt3A_10 = arith.cmpi sgt, %get3A_8, %gt3A_9 : vector<1024x1xi32>
    %and3A = vector.broadcast %gt3A_10 : vector<1024x1xi1> to vector<1024x50xi1>
    %and3A_11 = arith.andi %eq3A_5, %and3A : vector<1024x50xi1>
    %get3A_12 = arith.constant 0 : index
    %get3A_13 = arith.constant 0 : index
    %get3A_14 = vector.load %arg2[%get3A_12, %get3A_13] : memref<1024x5xi32, #tpu.memory_space<vmem>>, vector<1024x1xi32>
    %broadcast_in_dim3A = vector.shape_cast %get3A_14 : vector<1024x1xi32> to vector<1024x1xi32>
    %broadcast_in_dim3A_15 = vector.broadcast %broadcast_in_dim3A : vector<1024x1xi32> to vector<1024x50xi32>
    %select_n3A = arith.select %and3A_11, %broadcast_in_dim3A_15, %get3A_1 : vector<1024x50xi1>, vector<1024x50xi32>
    %get3A_16 = arith.constant 0 : index
    %get3A_17 = arith.constant 1 : index
    %get3A_18 = vector.load %arg1[%get3A_16, %get3A_17] : memref<1024x5xi32, #tpu.memory_space<vmem>>, vector<1024x1xi32>
    %eq3A_19 = vector.broadcast %get3A_18 : vector<1024x1xi32> to vector<1024x50xi32>
    %eq3A_20 = arith.cmpi eq, %iota3A, %eq3A_19 : vector<1024x50xi32>
    %get3A_21 = arith.constant 0 : index
    %get3A_22 = arith.constant 0 : index
    %get3A_23 = vector.load %arg3[%get3A_21, %get3A_22] : memref<1024x1xi32, #tpu.memory_space<vmem>>, vector<1024x1xi32>
    %gt3A_24 = arith.constant 1 : i32
    %gt3A_25 = vector.broadcast %gt3A_24 : i32 to vector<1024x1xi32>
    %gt3A_26 = arith.cmpi sgt, %get3A_23, %gt3A_25 : vector<1024x1xi32>
    %and3A_27 = vector.broadcast %gt3A_26 : vector<1024x1xi1> to vector<1024x50xi1>
    %and3A_28 = arith.andi %eq3A_20, %and3A_27 : vector<1024x50xi1>
    %get3A_29 = arith.constant 0 : index
    %get3A_30 = arith.constant 1 : index
    %get3A_31 = vector.load %arg2[%get3A_29, %get3A_30] : memref<1024x5xi32, #tpu.memory_space<vmem>>, vector<1024x1xi32>
    %broadcast_in_dim3A_32 = vector.shape_cast %get3A_31 : vector<1024x1xi32> to vector<1024x1xi32>
    %broadcast_in_dim3A_33 = vector.broadcast %broadcast_in_dim3A_32 : vector<1024x1xi32> to vector<1024x50xi32>
    %select_n3A_34 = arith.select %and3A_28, %broadcast_in_dim3A_33, %select_n3A : vector<1024x50xi1>, vector<1024x50xi32>
    %get3A_35 = arith.constant 0 : index
    %get3A_36 = arith.constant 2 : index
    %get3A_37 = vector.load %arg1[%get3A_35, %get3A_36] : memref<1024x5xi32, #tpu.memory_space<vmem>>, vector<1024x1xi32>
    %eq3A_38 = vector.broadcast %get3A_37 : vector<1024x1xi32> to vector<1024x50xi32>
    %eq3A_39 = arith.cmpi eq, %iota3A, %eq3A_38 : vector<1024x50xi32>
    %get3A_40 = arith.constant 0 : index
    %get3A_41 = arith.constant 0 : index
    %get3A_42 = vector.load %arg3[%get3A_40, %get3A_41] : memref<1024x1xi32, #tpu.memory_space<vmem>>, vector<1024x1xi32>
    %gt3A_43 = arith.constant 2 : i32
    %gt3A_44 = vector.broadcast %gt3A_43 : i32 to vector<1024x1xi32>
    %gt3A_45 = arith.cmpi sgt, %get3A_42, %gt3A_44 : vector<1024x1xi32>
    %and3A_46 = vector.broadcast %gt3A_45 : vector<1024x1xi1> to vector<1024x50xi1>
    %and3A_47 = arith.andi %eq3A_39, %and3A_46 : vector<1024x50xi1>
    %get3A_48 = arith.constant 0 : index
    %get3A_49 = arith.constant 2 : index
    %get3A_50 = vector.load %arg2[%get3A_48, %get3A_49] : memref<1024x5xi32, #tpu.memory_space<vmem>>, vector<1024x1xi32>
    %broadcast_in_dim3A_51 = vector.shape_cast %get3A_50 : vector<1024x1xi32> to vector<1024x1xi32>
    %broadcast_in_dim3A_52 = vector.broadcast %broadcast_in_dim3A_51 : vector<1024x1xi32> to vector<1024x50xi32>
    %select_n3A_53 = arith.select %and3A_47, %broadcast_in_dim3A_52, %select_n3A_34 : vector<1024x50xi1>, vector<1024x50xi32>
    %get3A_54 = arith.constant 0 : index
    %get3A_55 = arith.constant 3 : index
    %get3A_56 = vector.load %arg1[%get3A_54, %get3A_55] : memref<1024x5xi32, #tpu.memory_space<vmem>>, vector<1024x1xi32>
    %eq3A_57 = vector.broadcast %get3A_56 : vector<1024x1xi32> to vector<1024x50xi32>
    %eq3A_58 = arith.cmpi eq, %iota3A, %eq3A_57 : vector<1024x50xi32>
    %get3A_59 = arith.constant 0 : index
    %get3A_60 = arith.constant 0 : index
    %get3A_61 = vector.load %arg3[%get3A_59, %get3A_60] : memref<1024x1xi32, #tpu.memory_space<vmem>>, vector<1024x1xi32>
    %gt3A_62 = arith.constant 3 : i32
    %gt3A_63 = vector.broadcast %gt3A_62 : i32 to vector<1024x1xi32>
    %gt3A_64 = arith.cmpi sgt, %get3A_61, %gt3A_63 : vector<1024x1xi32>
    %and3A_65 = vector.broadcast %gt3A_64 : vector<1024x1xi1> to vector<1024x50xi1>
    %and3A_66 = arith.andi %eq3A_58, %and3A_65 : vector<1024x50xi1>
    %get3A_67 = arith.constant 0 : index
    %get3A_68 = arith.constant 3 : index
    %get3A_69 = vector.load %arg2[%get3A_67, %get3A_68] : memref<1024x5xi32, #tpu.memory_space<vmem>>, vector<1024x1xi32>
    %broadcast_in_dim3A_70 = vector.shape_cast %get3A_69 : vector<1024x1xi32> to vector<1024x1xi32>
    %broadcast_in_dim3A_71 = vector.broadcast %broadcast_in_dim3A_70 : vector<1024x1xi32> to vector<1024x50xi32>
    %select_n3A_72 = arith.select %and3A_66, %broadcast_in_dim3A_71, %select_n3A_53 : vector<1024x50xi1>, vector<1024x50xi32>
    %get3A_73 = arith.constant 0 : index
    %get3A_74 = arith.constant 4 : index
    %get3A_75 = vector.load %arg1[%get3A_73, %get3A_74] : memref<1024x5xi32, #tpu.memory_space<vmem>>, vector<1024x1xi32>
    %eq3A_76 = vector.broadcast %get3A_75 : vector<1024x1xi32> to vector<1024x50xi32>
    %eq3A_77 = arith.cmpi eq, %iota3A, %eq3A_76 : vector<1024x50xi32>
    %get3A_78 = arith.constant 0 : index
    %get3A_79 = arith.constant 0 : index
    %get3A_80 = vector.load %arg3[%get3A_78, %get3A_79] : memref<1024x1xi32, #tpu.memory_space<vmem>>, vector<1024x1xi32>
    %gt3A_81 = arith.constant 4 : i32
    %gt3A_82 = vector.broadcast %gt3A_81 : i32 to vector<1024x1xi32>
    %gt3A_83 = arith.cmpi sgt, %get3A_80, %gt3A_82 : vector<1024x1xi32>
    %and3A_84 = vector.broadcast %gt3A_83 : vector<1024x1xi1> to vector<1024x50xi1>
    %and3A_85 = arith.andi %eq3A_77, %and3A_84 : vector<1024x50xi1>
    %get3A_86 = arith.constant 0 : index
    %get3A_87 = arith.constant 4 : index
    %get3A_88 = vector.load %arg2[%get3A_86, %get3A_87] : memref<1024x5xi32, #tpu.memory_space<vmem>>, vector<1024x1xi32>
    %broadcast_in_dim3A_89 = vector.shape_cast %get3A_88 : vector<1024x1xi32> to vector<1024x1xi32>
    %broadcast_in_dim3A_90 = vector.broadcast %broadcast_in_dim3A_89 : vector<1024x1xi32> to vector<1024x50xi32>
    %select_n3A_91 = arith.select %and3A_85, %broadcast_in_dim3A_90, %select_n3A_72 : vector<1024x50xi1>, vector<1024x50xi32>
    %swap3A = arith.constant 0 : index
    %swap3A_92 = arith.constant 0 : index
    %swap3A_93 = vector.load %arg4[%swap3A, %swap3A_92] : memref<1024x50xi32, #tpu.memory_space<vmem>>, vector<1024x50xi32>
    tpu.vector_store %arg4[%swap3A, %swap3A_92], %select_n3A_91 {strides = array<i32>} : memref<1024x50xi32, #tpu.memory_space<vmem>>, vector<1024x50xi32>,
    return
  }
}

</mosaic_0001>

<sc_bundles>
// kernel: gather_offload_async_start
scs
__scs_entry_jumppad:
0x0: {  	(pc) =	sbr.rel $0x88, $3  }
0x1: {  	(tag) =	ssettag $0x0;
	lr =	simm.s32 $0x1  }
0x2: {  	[smem:$0x3F9E] =	sst lr;
	_ =	strace $0xD0000000  }
0x3: {  	_ = 	snop  }
0x4: {  	_ = 	snop  }
0x5: {  	_ = 	snop  }
0x6: {  	_ = 	snop  }
0x7: {  	_ = 	snop  }
__scs_overlays_trampoline_lowered:
0x8: {  	[smem:$0x3FAD] =	sst s0  }
0x9: {  	[smem:$0x3FAE] =	sst s1  }
0xa: {  	[smem:$0x3FAF] =	sst s2  }
0xb: {  	[smem:$0x3FB0] =	sst s3  }
0xc: {  	[smem:$0x3FB1] =	sst s4  }
0xd: {  	[smem:$0x3FB2] =	sst s5  }
0xe: {  	[smem:$0x3FB3] =	sst s6  }
0xf: {  	[smem:$0x3FB4] =	sst s7  }
0x10: {  	[smem:$0x3FB5] =	sst s8  }
0x11: {  	[smem:$0x3FB6] =	sst s9;
	s0 =	simm.s32 @!p0 $0x0  }
0x12: {  	s1 =	sld [smem:$0x3F9C];
	s0 =	simm.s32 @p0 $0x1  }
0x13: {  	[smem:$0x3FB7] =	sst s0;
	s0 =	simm.s32 @!p1 $0x0  }
0x14: {  	s2 =	sld [smem:$0x3F9B];
	s0 =	simm.s32 @p1 $0x1  }
0x15: {  	[smem:$0x3FB8] =	sst s0;
	s0 =	simm.s32 @!p2 $0x0  }
0x16: {  	s3 =	sld [smem:$0x3FDB];
	s0 =	simm.s32 @p2 $0x1  }
0x17: {  	s4 =	simm.s32 $0x1BF5;
	[smem:$0x3FBA] =	sst s0  }
0x18: {  	s0 =	sld [smem:$0x3F9D];
	_ =	swait.ge [sflag:s4], $0x0  }
0x19: {  	s7 =	sld [smem:$0x3F9E]  }
0x1a: {  	s8 =	sadd.s32 $0xFFFFE003, lr  }
0x1b: {  	s9 =	sadd.s32 $0xFFFFFEF7, lr;
	s5 =	simm.s32 $0xFFFFFFFF;
	p2 =	slt.u32 s8, $0xFFFFF086  }
0x1c: {  	p1 =	slt.u32 s9, $0xF7A;
	s5 =	simm.s32 @!p2 $0x0  }
0x1d: {  	s5 =	simm.s32 @p1 $0x1;
	p0 =	seq.s32 s7, s2  }
0x1e: {  	s7 =	smul.u32 @!p0 $0xF7A, s2;
	p2 =	seq.s32 @!p0 s5, $0x0  }
0x1f: {  	s9 =	smul.u32 $0xF7A, s1;
	s8 =	simm.s32 @!p0 $0x1BF5;
	p2 =	por !p2, p0  }
0x20: {  	[sflag:s8] =	ssyncset.s32 @!p0 $0xFFFFF086;
	s6 =	sadd.s32 @!p0 s3, s7;
	s7 =	simm.s32 @!p0 $0x108  }
0x21: {  	s3 =	sadd.s32 s3, s9;
	s6 =	sadd.s32 @!p0 $0x88, s6;
	s7 =	simm.s32 @p2 $0x1082  }
0x22: {  	[simem:s7], [sflag:s8] =	dma.local @!p0 [hbm:s6], $0xF7A  }
0x23: {  	s9 =	sor.u32 $0xD0000000, s2;
	s6 =	simm.s32 $0x108;
	_ =	swait.ge @!p0 [sflag:s8], $0x0  }
0x24: {  	s3 =	sadd.s32 $0x88, s3;
	s6 =	simm.s32 @!p1 $0x1082;
	[sflag:s4] =	ssyncset.s32 $0xFFFFF086  }
0x25: {  	[simem:s6], [sflag:s4] =	dma.local [hbm:s3], $0xF7A  }
0x26: {  	[smem:$0x3F9E] =	sst s1;
	(tag) =	ssettag s2;
	_ =	strace s9  }
0x27: {  	s1 =	sld [smem:$0x3FAE]  }
0x28: {  	s2 =	sld [smem:$0x3FAF]  }
0x29: {  	s4 =	sld [smem:$0x3FB1]  }
0x2a: {  	p0 =	seq.s32 s5, $0x0;
	s5 =	sld [smem:$0x3FB2]  }
0x2b: {  	s6 =	sld [smem:$0x3FB3]  }
0x2c: {  	s7 =	sld [smem:$0x3FB4]  }
0x2d: {  	s3 =	simm.s32 $0x108;
	s8 =	sld [smem:$0x3FB5]  }
0x2e: {  	s3 =	simm.s32 @!p0 $0x1082;
	s9 =	sld [smem:$0x3FB6]  }
0x2f: {  	lr =	sadd.s32 s0, s3;
	s0 =	sld [smem:$0x3FAD]  }
0x30: {  	s3 =	sld [smem:$0x3FB0]  }
0x31: {  	[smem:$0x3FB9] =	sst s10  }
0x32: {  	s10 =	sld [smem:$0x3FB7];
	_ =	sdelay $0x3  }
0x33: {  	p0 =	seq.s32 s10, $0x1;
	s10 =	sld [smem:$0x3FB9];
	_ =	sdelay $0x3  }
0x34: {  	[smem:$0x3FB9] =	sst s10  }
0x35: {  	s10 =	sld [smem:$0x3FB8];
	_ =	sdelay $0x3  }
0x36: {  	p1 =	seq.s32 s10, $0x1;
	s10 =	sld [smem:$0x3FB9];
	_ =	sdelay $0x3  }
0x37: {  	[smem:$0x3FB9] =	sst s10  }
0x38: {  	s10 =	sld [smem:$0x3FBA]  }
0x39: {  	_ = 	snop;
	(pc) =	sbr.ind lr, $3  }
0x3a: {  	_ = 	snop  }
0x3b: {  	_ = 	snop  }
0x3c: {  	p2 =	seq.s32 s10, $0x1;
	s10 =	sld [smem:$0x3FB9]  }
0x3d: {  	_ =	shalt  }
0x3e: {  	_ =	shalt  }
0x3f: {  	_ =	shalt  }
0x40: {  	_ =	shalt  }
0x41: {  	_ =	shalt  }
0x42: {  	_ =	shalt  }
0x43: {  	_ =	shalt  }
0x44: {  	_ =	shalt  }
0x45: {  	_ =	shalt  }
0x46: {  	_ =	shalt  }
0x47: {  	_ =	shalt  }
0x48: {  	_ =	shalt  }
0x49: {  	_ =	shalt  }
0x4a: {  	_ =	shalt  }
0x4b: {  	_ =	shalt  }
0x4c: {  	_ =	shalt  }
0x4d: {  	_ =	shalt  }
0x4e: {  	_ =	shalt  }
0x4f: {  	_ =	shalt  }
0x50: {  	_ =	shalt  }
0x51: {  	_ =	shalt  }
0x52: {  	_ =	shalt  }
0x53: {  	_ =	shalt  }
0x54: {  	_ =	shalt  }
0x55: {  	_ =	shalt  }
0x56: {  	_ =	shalt  }
0x57: {  	_ =	shalt  }
0x58: {  	_ =	shalt  }
0x59: {  	_ =	shalt  }
0x5a: {  	_ =	shalt  }
0x5b: {  	_ =	shalt  }
0x5c: {  	_ =	shalt  }
0x5d: {  	_ =	shalt  }
0x5e: {  	_ =	shalt  }
0x5f: {  	_ =	shalt  }
0x60: {  	_ =	shalt  }
0x61: {  	_ =	shalt  }
0x62: {  	_ =	shalt  }
0x63: {  	_ =	shalt  }
0x64: {  	_ =	shalt  }
0x65: {  	_ =	shalt  }
0x66: {  	_ =	shalt  }
0x67: {  	_ =	shalt  }
0x68: {  	_ =	shalt  }
0x69: {  	_ =	shalt  }
0x6a: {  	_ =	shalt  }
0x6b: {  	_ =	shalt  }
0x6c: {  	_ =	shalt  }
0x6d: {  	_ =	shalt  }
0x6e: {  	_ =	shalt  }
0x6f: {  	_ =	shalt  }
0x70: {  	_ =	shalt  }
0x71: {  	_ =	shalt  }
0x72: {  	_ =	shalt  }
0x73: {  	_ =	shalt  }
0x74: {  	_ =	shalt  }
0x75: {  	_ =	shalt  }
0x76: {  	_ =	shalt  }
0x77: {  	_ =	shalt  }
0x78: {  	_ =	shalt  }
0x79: {  	_ =	shalt  }
0x7a: {  	_ =	shalt  }
0x7b: {  	_ =	shalt  }
0x7c: {  	_ =	shalt  }
0x7d: {  	_ =	shalt  }
0x7e: {  	_ =	shalt  }
0x7f: {  	_ =	shalt  }
0x80: {  	_ =	shalt  }
0x81: {  	_ =	shalt  }
0x82: {  	_ =	shalt  }
0x83: {  	_ =	shalt  }
0x84: {  	_ =	shalt  }
0x85: {  	_ =	shalt  }
0x86: {  	_ =	shalt  }
0x87: {  	_ =	shalt  }
.Lfunc_end0:
.L_simem_size_0:
called_computation_lowered:
.L_overlay_start_0:
0x88: {  	s2 =	sld [smem:$0x3FD9]  }
0x89: {  	s3 =	sld [smem:$0x3FFE];
	_ =	sdelay $0x1  }
0x8a: {  	s1 =	srdreg.scid  }
0x8b: {  	s0 =	sand.u32 $0x1, s1  }
0x8c: {  	s14 =	sshll.u32 s0, $0xA;
	s2 =	sadd.s32 s3, s2  }
0x8d: {  	s2 =	sadd.s32 s2, s14  }
0x8e: {  	[smem:$0x3FC5] =	sst s2  }
0x8f: {  	_ = 	snop  }
0x90: {  	s2 =	sld [smem:$0x3FD0];
	_ =	sdelay $0x2  }
0x91: {  	s4 =	simm.s32 $0xA;
	s5 =	simm.s32 $0x10;
	s15 =	sld [smem:$0x3FC9]  }
0x92: {  	[smem:s5], [sflag:s4] =	dma.local [hbm:s2], $0x1  }
0x93: {  	_ =	swait.eq [sflag:s4], $0x1  }
0x94: {  	[sflag:s4] =	ssyncset.done $0x0  }
0x95: {  	[sflag:s4] =	ssyncadd.s32 $0xFFFFFFFF  }
0x96: {  	s16 =	sld [smem:$0x10];
	(tm) =	ssettm $0x1  }
0x97: {  	s17 =	sld [smem:$0x3FFB];
	_ =	sdelay $0x3  }
0x98: {  	_ =	strace s17  }
0x99: {  	s4 =	sld [smem:$0x3FFC];
	_ =	sdelay $0x3  }
0x9a: {  	_ =	strace s4  }
0x9b: {  	s4 =	sld [smem:$0x3FFD];
	_ =	sdelay $0x3  }
0x9c: {  	_ =	strace s4  }
0x9d: {  	_ =	strace $0x8FFFFFFF  }
0x9e: {  	s18 =	sld [smem:$0x3FDB];
	_ =	sdelay $0x1  }
0x9f: {  	s19 =	simm.s32 $_scs_section_size  }
0xa0: {  	s6 =	simm.s32 $_size__tile_overlayer_lowered;
	s7 =	simm.s32 $_tile_overlayer_lowered  }
0xa1: {  	s22 =	simm.s32 $0x1BFF;
	s21 =	sshll.u32 s7, $0x1;
	s4 =	sadd.s32 s19, s18  }
0xa2: {  	s8 =	simm.s32 $0x0;
	s20 =	sshll.u32 s6, $0x1;
	s6 =	sadd.s32 s21, s4  }
0xa3: {  	[timem:s8], [sflag:s22] =	dma.local [hbm:s6], s20  }
0xa4: {  	_ =	swait.ge [sflag:s22], s20  }
0xa5: {  	s5 =	ssub.s32 $0x0, s20;
	[sflag:s22] =	ssyncset.done $0x0  }
0xa6: {  	[sflag:s22] =	ssyncadd.s32 s5;
	_ =	sdelay $0x1  }
0xa7: {  	s23 =	simm.s32 $0x1B8B  }
0xa8: {  	_ =	swait.ge [sflag:s23], $0x1  }
0xa9: {  	[sflag:s23] =	ssyncset.done $0x0  }
0xaa: {  	s25 =	simm.s32 $0x1B8E;
	s24 =	sld [smem:$0x3FFE];
	[sflag:s23] =	ssyncadd.s32 $0xFFFFFFFF  }
0xab: {  	s26 =	simm.s32 $execute0_lowered;
	[smem:$0x3FD2] =	sst s25  }
0xac: {  	s6 =	sshll.u32 s26, $0x1;
	_ =	strace $0x80000046;
	[dreg:$0x1] =	wrdreg $0xFFFFFFFF  }
0xad: {  	s28 =	simm.s32 $_size_execute0_lowered;
	s4 =	sadd.s32 s4, s6;
	[dreg:$0x0] =	wrdreg $0x0  }
0xae: {  	s6 =	sshll.u32 s28, $0x1;
	[dreg:$0x2] =	wrdreg s4  }
0xaf: {  	[dreg:$0x3] =	wrdreg s6  }
0xb0: {  	[dreg:$0x4] =	wrdreg $0xC0  }
0xb1: {  	_ =	task [dreg:s8], $0x5FFFF  }
0xb2: {  	[dreg:$0x1] =	wrdreg $0xFFFFFFFF  }
0xb3: {  	[dreg:$0x0] =	wrdreg $0x60  }
0xb4: {  	[dreg:$0x2] =	wrdreg s15  }
0xb5: {  	[dreg:$0x3] =	wrdreg s16  }
0xb6: {  	[dreg:$0x4] =	wrdreg s24  }
0xb7: {  	[dreg:$0x5] =	wrdreg $0x9  }
0xb8: {  	_ =	task.clear_ibuf [dreg:s8], $0x6FFFF;
	_ =	strace $0x90000046  }
0xb9: {  	s29 =	simm.s32 $0x9;
	_ =	strace $0x80000048  }
0xba: {  	_ =	swait.ge [sflag:s29], $0x1  }
0xbb: {  	[sflag:s29] =	ssyncadd.s32 $0xFFFFFFFF  }
0xbc: {  	_ =	strace $0x90000048  }
0xbd: {  	_ =	sfence  }
0xbe: {  	s30 =	sld [smem:$0x0];
	_ =	sdelay $0x2  }
0xbf: {  	s31 =	sshll.u32 s1, $0xD;
	s1 =	sshrl.u32 s1, $0x2  }
0xc0: {  	s3 =	sand.u32 $0x4000, s31;
	s1 =	sadd.s32 s1, s30  }
0xc1: {  	s0 =	sor.u32 s3, s0;
	s1 =	sshll.u32 s1, $0x11  }
0xc2: {  	s0 =	sor.u32 s1, s0  }
0xc3: {  	s0 =	sadd.s32 $0x8F2B, s0  }
0xc4: {  	[sflag:s0] =	ssyncadd.remote.s32 $0x1  }
0xc5: {  	_ =	sfence.sel $0xFFFF  }
0xc6: {  	[dreg:$0x0] =	wrdreg $0xFFFFFFFF;
	(pc) =	sbr.abs _section_cstart, $3  }
0xc7: {  	[dreg:$0x1] =	wrdreg $0xFFFFFFFF  }
0xc8: {  	_ =	task.clear_ibuf [dreg:s8], $0x2FFFF;
	_ =	strace $0x9FFFFFFF  }
0xc9: {  	(tm) =	ssettm $0x7FFFFFFF  }
tec
execute0_lowered:
.L_overlay_start_1:
0x0: {  	(tag) =	ssettag $0x1  }
0x1: {  	s2 =	rddreg [dreg:$0x0]  }
0x2: {  	s1 =	srdreg.scid;
	s3 =	rddreg [dreg:$0x1]  }
0x3: {  	s0 =	stileid.u32;
	s5 =	rddreg [dreg:$0x2]  }
0x4: {  	s9 =	simm.s32 $0x1;
	s10 =	simm.s32 $0x3;
	s1 =	sshll.u32 s1, $0x7  }
0x5: {  	s13 =	simm.s32 $0x0;
	s4 =	sshll.u32 s0, $0x8;
	s6 =	sand.u32 $0x80, s1  }
0x6: {  	s12 =	simm.s32 $0x0;
	s5 =	sadd.s32 $0x18AA00, s5;
	s4 =	sor.u32 s4, s6  }
0x7: {  	s1 =	rddreg [dreg:$0x3];
	_ =	strace $0x80000047;
	s8 =	ssub.s32 $0x1400, s4  }
.Ltmp0:
0x8: {  	s6 =	simm.s32 $0x1;
	s7 =	sand.u32 $0xF80, s8;
	(pc) =	sbr.rel .LBB2_1-.Ltmp0, $4  }
0x9: {  	[sflag:s6] =	ssyncpa.u1 $0x0;
	s11 =	smov.u32 s4;
	p0 =	sne.s32 s7, $0x0  }
0xa: {  	s8 =	sshrl.u32 s8, $0xC;
	s7 =	simm.s32 $0x2;
	s9 =	simm.s32 @!p0 $0x0  }
0xb: {  	[sflag:s7] =	ssyncpa.u1 $0x0;
	p0 =	por $0x0, $0x0;
	s8 =	sadd.s32 s9, s8  }
0xc: {  	vm0 =	vmmov $0xffff;
	[sflag:s10] =	ssyncpa.u1 $0x0;
	s10 =	simm.s32 $0x0;
	s9 =	sadd.s32 $0x1, s8  }
.LBB2_4:
0xd: {  	vm1 =	veq.s32 v0, $0x80000000;
	v63 =	vand.u32 $0x3FF, v0;
	v2 =	vand.u32 $0x3F, v2  }
0xe: {  	v0 =	vsel vm1, $0xFFFFFFFF, v63;
	v2 =	vsel vm1, $0xFFFFFFFF, v2  }
0xf: {  	v3 =	vshll.u32 v2, $0xA;
	v4 =	vshll.u32 v0, $0x3  }
0x10: {  	v2 =	vshll.u32 v2, $0x7;
	v3 =	vand.u32 $0xFFFFE000, v3;
	v4 =	vand.u32 $0xFFFFFC00, v4  }
0x11: {  	v2 =	vand.u32 $0x380, v2;
	v3 =	vadd.s32 v4, v3  }
0x12: {  	v0 =	vand.u32 $0x7F, v0;
	v2 =	vor.u32 v2, v3  }
0x13: {  	v0 =	vor.u32 v0, v2;
	_ =	sdelay $0x1  }
0x14: {  	(ifvalue) =	ssetifvalue $0x7FFFFFFF;
	s14 =	sadd.s32 $0x10, s14  }
0x15: {  	[tilespmem:s14], [sflag:$0x1] =	stream.indirect_vreg.gather [hbm4b:s2+s10], $0x1, v1, vm0, $0x4038;
	[tilespmem:$0x200] =	vst v63  }
0x16: {  	(ifvalue) =	ssetifvalue $0x7FFFFFFF;
	s14 =	sadd.s32 $0x10, s14  }
0x17: {  	[tilespmem:s14], [sflag:$0x1] =	stream.indirect_vreg.gather [hbm4b:s2+s10], $0x1, v0, vm0, $0x4038;
	[tilespmem:$0x200] =	vst v63  }
0x18: {  	_ =	swait.ge [sflag:s6], $0x80  }
0x19: {  	s30 =	sshrl.u32 s13, $0x3;
	[sflag:s6] =	ssyncset.done $0x0  }
0x1a: {  	s31 =	sand.u32 $0x7, s13;
	s14 =	sadd.s32 s5, s30;
	[sflag:s6] =	ssyncadd.s32 $0xFFFFFF80  }
0x1b: {  	[hbm4b:s14+s31] =	stream.linear.scatter [tilespmem:s15], [sflag:$0x3], $0x80, $0x38;
	[tilespmem:$0x200] =	vst v63  }
.LBB2_5:
0x1c: {  	s15 =	sadd.s32 $0x1000, s11  }
0x1d: {  	p2 =	sgt.s32 s15, $0x13FF  }
0x1e: {  	s15 =	smov.u32 @p2 s4;
	p2 =	sne.s32 s12, s9  }
.Ltmp1:
0x1f: {  	p1 =	slt.u32 s12, $0x2;
	(pc) =	sbr.rel @!p2 .LBB2_6-.Ltmp1, $4  }
0x20: {  	s14 =	simm.s32 @!p1 $0x3  }
0x21: {  	s16 =	sadd.s32 $0x1, s12;
	_ =	swait.ge @!p1 [sflag:s14], $0x80  }
0x22: {  	s13 =	smov.u32 s11;
	p0 =	por !p0, !p0;
	[sflag:s14] =	ssyncset.done @!p1 $0x0  }
0x23: {  	s12 =	smov.u32 s16;
	s11 =	smov.u32 s15;
	[sflag:s14] =	ssyncadd.s32 @!p1 $0xFFFFFF80  }
.LBB2_1:
0x24: {  	p1 =	sge.u32 s12, s8  }
0x25: {  	s14 =	sxor.u32 @!p1 $0xFFFFFFFF, s12  }
0x26: {  	s31 =	sadd.s32 $0xFFFFFFFF, s12;
	s15 =	sshrl.u32 @!p1 s11, $0x3;
	s14 =	sshll.u32 @!p1 s14, $0x7  }
0x27: {  	s16 =	sand.u32 @!p1 $0x7, s11;
	s15 =	sadd.s32 @!p1 s3, s15;
	s14 =	sand.u32 @!p1 $0x80, s14  }
0x28: {  	[tilespmem:s14], [sflag:$0x2] =	stream.linear.gather @!p1 [hbm4b:s15+s16], $0x80, $0x38;
	[tilespmem:$0x200] =	vst v63  }
0x29: {  	p1 =	sge.u32 s31, s8  }
.Ltmp2:
0x2a: {  	_ = 	snop;
	(pc) =	sbr.rel @p1 .LBB2_5-.Ltmp2, $1  }
0x2b: {  	_ =	sdelay $0x3  }
0x2c: {  	s14 =	simm.s32 $0x1  }
0x2d: {  	_ =	swait.ge [sflag:s7], $0x80;
	s14 =	simm.s32 @!p0 $0x0  }
0x2e: {  	[sflag:s7] =	ssyncset.done $0x0;
	s14 =	sshll.u32 s14, $0x7  }
0x2f: {  	[sflag:s7] =	ssyncadd.s32 $0xFFFFFF80;
	(ifvalue) =	ssetifvalue $0x7FFFFFFF;
	v0 =	vld.msk [tilespmem:s14+$0x0 ss:$0x1], $0xffff;
	_ =	sdelay $0x4  }
0x30: {  	s15 =	sadd.s32 $0x10, s14;
	v1 =	vshrl.u32 v0, $0xA  }
0x31: {  	v2 =	vld.msk [tilespmem:s15+$0x0 ss:$0x1], $0xffff;
	vm1 =	veq.s32 v0, $0x80000000;
	v0 =	vand.u32 $0x3FF, v0;
	v1 =	vand.u32 $0x3F, v1  }
0x32: {  	v0 =	vsel vm1, $0xFFFFFFFF, v0;
	v1 =	vsel vm1, $0xFFFFFFFF, v1  }
0x33: {  	v4 =	vshll.u32 v0, $0x3;
	v3 =	vshll.u32 v1, $0xA  }
0x34: {  	v4 =	vand.u32 $0xFFFFFC00, v4;
	v1 =	vshll.u32 v1, $0x7;
	v3 =	vand.u32 $0xFFFFE000, v3  }
0x35: {  	v0 =	vand.u32 $0x7F, v0;
	v1 =	vand.u32 $0x380, v1;
	v3 =	vadd.s32 v4, v3  }
0x36: {  	vm1 =	veq.s32 v2, $0x80000000;
	v1 =	vor.u32 v1, v3;
	v3 =	vshrl.u32 v2, $0xA  }
0x37: {  	s17 =	sadd.s32 $0x10, s15;
	v2 =	vand.u32 $0x3FF, v2;
	v1 =	vor.u32 v0, v1;
	v3 =	vand.u32 $0x3F, v3  }
0x38: {  	v0 =	vld.msk [tilespmem:s17+$0x0 ss:$0x1], $0xffff;
	v2 =	vsel vm1, $0xFFFFFFFF, v2;
	v3 =	vsel vm1, $0xFFFFFFFF, v3  }
0x39: {  	v5 =	vshll.u32 v2, $0x3;
	v63 =	vshll.u32 v3, $0xA  }
0x3a: {  	s31 =	sshll.u32 s12, $0x7;
	v5 =	vand.u32 $0xFFFFFC00, v5;
	v3 =	vshll.u32 v3, $0x7;
	v4 =	vand.u32 $0xFFFFE000, v63  }
0x3b: {  	s14 =	sor.u32 $0x100, s14;
	s15 =	sand.u32 $0x80, s31;
	(ifvalue) =	ssetifvalue $0x7FFFFFFF;
	v3 =	vand.u32 $0x380, v3;
	v4 =	vadd.s32 v5, v4  }
0x3c: {  	[tilespmem:s14], [sflag:$0x1] =	stream.indirect_vreg.gather [hbm4b:s2+s10], $0x1, v1, vm0, $0x4038;
	v1 =	vand.u32 $0x7F, v2;
	v3 =	vor.u32 v3, v4;
	[tilespmem:$0x200] =	vst v63  }
0x3d: {  	s16 =	simm.s32 $0x20;
	s15 =	sor.u32 $0x100, s15;
	s17 =	sadd.s32 $0x10, s17;
	v2 =	vshrl.u32 v0, $0xA;
	v1 =	vor.u32 v1, v3  }
.LBB2_3:
0x3e: {  	s16 =	sadd.s32 $0x10, s16;
	vm1 =	veq.s32 v0, $0x80000000;
	v3 =	vand.u32 $0x3FF, v0;
	v0 =	vld.msk [tilespmem:s17+$0x0 ss:$0x1], $0xffff;
	v2 =	vand.u32 $0x3F, v2  }
0x3f: {  	p1 =	slt.u32 s16, $0x70;
	v3 =	vsel vm1, $0xFFFFFFFF, v3;
	v2 =	vsel vm1, $0xFFFFFFFF, v2  }
.Ltmp3:
0x40: {  	v4 =	vshll.u32 v2, $0xA;
	v5 =	vshll.u32 v3, $0x3;
	(pc) =	sbr.rel @p1 .LBB2_3-.Ltmp3, $4  }
0x41: {  	s14 =	sadd.s32 $0x10, s14;
	v2 =	vshll.u32 v2, $0x7;
	v4 =	vand.u32 $0xFFFFE000, v4;
	v5 =	vand.u32 $0xFFFFFC00, v5;
	(ifvalue) =	ssetifvalue $0x7FFFFFFF  }
0x42: {  	v2 =	vand.u32 $0x380, v2;
	v4 =	vadd.s32 v5, v4;
	[tilespmem:s14], [sflag:$0x1] =	stream.indirect_vreg.gather [hbm4b:s2+s10], $0x1, v1, vm0, $0x4038;
	[tilespmem:$0x200] =	vst v63  }
0x43: {  	v1 =	vand.u32 $0x7F, v3;
	v3 =	vor.u32 v2, v4  }
0x44: {  	s17 =	sadd.s32 $0x10, s17;
	v2 =	vshrl.u32 v0, $0xA;
	v1 =	vor.u32 v1, v3  }
.Ltmp4:
0x45: {  	_ = 	snop;
	(pc) =	sbr.rel .LBB2_4-.Ltmp4, $1  }
0x46: {  	_ =	sdelay $0x3  }
.LBB2_6:
0x47: {  	_ =	sfence.sel $0x180000  }
0x48: {  	s2 =	simm.s32 $0x2;
	[bflag:$0x0] =	sbarrier.arrive $0xFFFF  }
0x49: {  	s30 =	simm.s32 $0x3;
	[sflag:s2] =	ssyncpa.u1 $0x1  }
0x4a: {  	s31 =	simm.s32 $0x1;
	[sflag:s30] =	ssyncpa.u1 $0x1  }
0x4b: {  	[sflag:s31] =	ssyncpa.u1 $0x1  }
0x4c: {  	p0 =	sne.s32 s0, $0x0;
	_ =	strace $0x90000047  }
0x4d: {  	s0 =	sadd.s32 @!p0 $0x100000, s1;
	[bflag:$0x2] =	sbarrier.arrive $0xFFFF  }
0x4e: {  	[sflag:s0] =	ssyncadd.tile.s32 @!p0 $0x1;
	_ =	shalt  }
.Lfunc_end2:
_tile_overlayer_lowered:
.L_overlay_start_2:
0x4f: {  	(tag) =	ssettag $0x2  }
0x50: {  	s0 =	rddreg [dreg:$0x0];
	s2 =	stileid.u32  }
0x51: {  	s1 =	rddreg [dreg:$0x1];
	p0 =	sne.s32 s2, $0x0  }
0x52: {  	s3 =	rddreg [dreg:$0x2];
	[bflag:$0x3] =	sbarrier.arrive $0xFFFF;
	s2 =	simm.s32 @!p0 $0x1C01  }
0x53: {  	[timem:s3], [sflag:s2] =	dma.local @!p0 [hbm:s0], s1  }
0x54: {  	s0 =	simm.s32 @!p0 $0x1  }
0x55: {  	_ =	swait.ge @!p0 [sflag:s0], s1  }
0x56: {  	s1 =	ssub.s32 @!p0 $0x0, s1;
	[sflag:s0] =	ssyncset.done @!p0 $0x0  }
0x57: {  	[sflag:s0] =	ssyncadd.s32 @!p0 s1  }
0x58: {  	[bflag:$0x3] =	sbarrier.arrive $0xFFFF  }
0x59: {  	_ =	shalt  }

// kernel: kernel.5.cloned.1.call-start
scs
__scs_entry_jumppad:
0x0: {  	(pc) =	sbr.rel $0x88, $3  }
0x1: {  	(tag) =	ssettag $0x0;
	lr =	simm.s32 $0x1  }
0x2: {  	[smem:$0x3F9E] =	sst lr;
	_ =	strace $0xD0000000  }
0x3: {  	_ = 	snop  }
0x4: {  	_ = 	snop  }
0x5: {  	_ = 	snop  }
0x6: {  	_ = 	snop  }
0x7: {  	_ = 	snop  }
__scs_overlays_trampoline_lowered:
0x8: {  	[smem:$0x3FAD] =	sst s0  }
0x9: {  	[smem:$0x3FAE] =	sst s1  }
0xa: {  	[smem:$0x3FAF] =	sst s2  }
0xb: {  	[smem:$0x3FB0] =	sst s3  }
0xc: {  	[smem:$0x3FB1] =	sst s4  }
0xd: {  	[smem:$0x3FB2] =	sst s5  }
0xe: {  	[smem:$0x3FB3] =	sst s6  }
0xf: {  	[smem:$0x3FB4] =	sst s7  }
0x10: {  	[smem:$0x3FB5] =	sst s8  }
0x11: {  	[smem:$0x3FB6] =	sst s9;
	s0 =	simm.s32 @!p0 $0x0  }
0x12: {  	s1 =	sld [smem:$0x3F9C];
	s0 =	simm.s32 @p0 $0x1  }
0x13: {  	[smem:$0x3FB7] =	sst s0;
	s0 =	simm.s32 @!p1 $0x0  }
0x14: {  	s2 =	sld [smem:$0x3F9B];
	s0 =	simm.s32 @p1 $0x1  }
0x15: {  	[smem:$0x3FB8] =	sst s0;
	s0 =	simm.s32 @!p2 $0x0  }
0x16: {  	s3 =	sld [smem:$0x3FDB];
	s0 =	simm.s32 @p2 $0x1  }
0x17: {  	s4 =	simm.s32 $0x1BF5;
	[smem:$0x3FBA] =	sst s0  }
0x18: {  	s0 =	sld [smem:$0x3F9D];
	_ =	swait.ge [sflag:s4], $0x0  }
0x19: {  	s7 =	sld [smem:$0x3F9E]  }
0x1a: {  	s8 =	sadd.s32 $0xFFFFE003, lr  }
0x1b: {  	s9 =	sadd.s32 $0xFFFFFEF7, lr;
	s5 =	simm.s32 $0xFFFFFFFF;
	p2 =	slt.u32 s8, $0xFFFFF086  }
0x1c: {  	p1 =	slt.u32 s9, $0xF7A;
	s5 =	simm.s32 @!p2 $0x0  }
0x1d: {  	s5 =	simm.s32 @p1 $0x1;
	p0 =	seq.s32 s7, s2  }
0x1e: {  	s7 =	smul.u32 @!p0 $0xF7A, s2;
	p2 =	seq.s32 @!p0 s5, $0x0  }
0x1f: {  	s9 =	smul.u32 $0xF7A, s1;
	s8 =	simm.s32 @!p0 $0x1BF5;
	p2 =	por !p2, p0  }
0x20: {  	[sflag:s8] =	ssyncset.s32 @!p0 $0xFFFFF086;
	s6 =	sadd.s32 @!p0 s3, s7;
	s7 =	simm.s32 @!p0 $0x108  }
0x21: {  	s3 =	sadd.s32 s3, s9;
	s6 =	sadd.s32 @!p0 $0x88, s6;
	s7 =	simm.s32 @p2 $0x1082  }
0x22: {  	[simem:s7], [sflag:s8] =	dma.local @!p0 [hbm:s6], $0xF7A  }
0x23: {  	s9 =	sor.u32 $0xD0000000, s2;
	s6 =	simm.s32 $0x108;
	_ =	swait.ge @!p0 [sflag:s8], $0x0  }
0x24: {  	s3 =	sadd.s32 $0x88, s3;
	s6 =	simm.s32 @!p1 $0x1082;
	[sflag:s4] =	ssyncset.s32 $0xFFFFF086  }
0x25: {  	[simem:s6], [sflag:s4] =	dma.local [hbm:s3], $0xF7A  }
0x26: {  	[smem:$0x3F9E] =	sst s1;
	(tag) =	ssettag s2;
	_ =	strace s9  }
0x27: {  	s1 =	sld [smem:$0x3FAE]  }
0x28: {  	s2 =	sld [smem:$0x3FAF]  }
0x29: {  	s4 =	sld [smem:$0x3FB1]  }
0x2a: {  	p0 =	seq.s32 s5, $0x0;
	s5 =	sld [smem:$0x3FB2]  }
0x2b: {  	s6 =	sld [smem:$0x3FB3]  }
0x2c: {  	s7 =	sld [smem:$0x3FB4]  }
0x2d: {  	s3 =	simm.s32 $0x108;
	s8 =	sld [smem:$0x3FB5]  }
0x2e: {  	s3 =	simm.s32 @!p0 $0x1082;
	s9 =	sld [smem:$0x3FB6]  }
0x2f: {  	lr =	sadd.s32 s0, s3;
	s0 =	sld [smem:$0x3FAD]  }
0x30: {  	s3 =	sld [smem:$0x3FB0]  }
0x31: {  	[smem:$0x3FB9] =	sst s10  }
0x32: {  	s10 =	sld [smem:$0x3FB7];
	_ =	sdelay $0x3  }
0x33: {  	p0 =	seq.s32 s10, $0x1;
	s10 =	sld [smem:$0x3FB9];
	_ =	sdelay $0x3  }
0x34: {  	[smem:$0x3FB9] =	sst s10  }
0x35: {  	s10 =	sld [smem:$0x3FB8];
	_ =	sdelay $0x3  }
0x36: {  	p1 =	seq.s32 s10, $0x1;
	s10 =	sld [smem:$0x3FB9];
	_ =	sdelay $0x3  }
0x37: {  	[smem:$0x3FB9] =	sst s10  }
0x38: {  	s10 =	sld [smem:$0x3FBA]  }
0x39: {  	_ = 	snop;
	(pc) =	sbr.ind lr, $3  }
0x3a: {  	_ = 	snop  }
0x3b: {  	_ = 	snop  }
0x3c: {  	p2 =	seq.s32 s10, $0x1;
	s10 =	sld [smem:$0x3FB9]  }
0x3d: {  	_ =	shalt  }
0x3e: {  	_ =	shalt  }
0x3f: {  	_ =	shalt  }
0x40: {  	_ =	shalt  }
0x41: {  	_ =	shalt  }
0x42: {  	_ =	shalt  }
0x43: {  	_ =	shalt  }
0x44: {  	_ =	shalt  }
0x45: {  	_ =	shalt  }
0x46: {  	_ =	shalt  }
0x47: {  	_ =	shalt  }
0x48: {  	_ =	shalt  }
0x49: {  	_ =	shalt  }
0x4a: {  	_ =	shalt  }
0x4b: {  	_ =	shalt  }
0x4c: {  	_ =	shalt  }
0x4d: {  	_ =	shalt  }
0x4e: {  	_ =	shalt  }
0x4f: {  	_ =	shalt  }
0x50: {  	_ =	shalt  }
0x51: {  	_ =	shalt  }
0x52: {  	_ =	shalt  }
0x53: {  	_ =	shalt  }
0x54: {  	_ =	shalt  }
0x55: {  	_ =	shalt  }
0x56: {  	_ =	shalt  }
0x57: {  	_ =	shalt  }
0x58: {  	_ =	shalt  }
0x59: {  	_ =	shalt  }
0x5a: {  	_ =	shalt  }
0x5b: {  	_ =	shalt  }
0x5c: {  	_ =	shalt  }
0x5d: {  	_ =	shalt  }
0x5e: {  	_ =	shalt  }
0x5f: {  	_ =	shalt  }
0x60: {  	_ =	shalt  }
0x61: {  	_ =	shalt  }
0x62: {  	_ =	shalt  }
0x63: {  	_ =	shalt  }
0x64: {  	_ =	shalt  }
0x65: {  	_ =	shalt  }
0x66: {  	_ =	shalt  }
0x67: {  	_ =	shalt  }
0x68: {  	_ =	shalt  }
0x69: {  	_ =	shalt  }
0x6a: {  	_ =	shalt  }
0x6b: {  	_ =	shalt  }
0x6c: {  	_ =	shalt  }
0x6d: {  	_ =	shalt  }
0x6e: {  	_ =	shalt  }
0x6f: {  	_ =	shalt  }
0x70: {  	_ =	shalt  }
0x71: {  	_ =	shalt  }
0x72: {  	_ =	shalt  }
0x73: {  	_ =	shalt  }
0x74: {  	_ =	shalt  }
0x75: {  	_ =	shalt  }
0x76: {  	_ =	shalt  }
0x77: {  	_ =	shalt  }
0x78: {  	_ =	shalt  }
0x79: {  	_ =	shalt  }
0x7a: {  	_ =	shalt  }
0x7b: {  	_ =	shalt  }
0x7c: {  	_ =	shalt  }
0x7d: {  	_ =	shalt  }
0x7e: {  	_ =	shalt  }
0x7f: {  	_ =	shalt  }
0x80: {  	_ =	shalt  }
0x81: {  	_ =	shalt  }
0x82: {  	_ =	shalt  }
0x83: {  	_ =	shalt  }
0x84: {  	_ =	shalt  }
0x85: {  	_ =	shalt  }
0x86: {  	_ =	shalt  }
0x87: {  	_ =	shalt  }
.Lfunc_end0:
.L_simem_size_0:
called_computation.1_lowered:
.L_overlay_start_0:
0x88: {  	s2 =	sld [smem:$0x3FD9]  }
0x89: {  	s3 =	sld [smem:$0x3FFE];
	_ =	sdelay $0x1  }
0x8a: {  	s1 =	srdreg.scid  }
0x8b: {  	s0 =	sand.u32 $0x1, s1  }
0x8c: {  	s14 =	sshll.u32 s0, $0xA;
	s2 =	sadd.s32 s3, s2  }
0x8d: {  	s2 =	sadd.s32 s2, s14  }
0x8e: {  	[smem:$0x3FC5] =	sst s2  }
0x8f: {  	_ = 	snop  }
0x90: {  	s2 =	sld [smem:$0x3FD0];
	_ =	sdelay $0x2  }
0x91: {  	s15 =	simm.s32 $0xA;
	s4 =	simm.s32 $0x10  }
0x92: {  	[smem:s4], [sflag:s15] =	dma.local [hbm:s2], $0x1  }
0x93: {  	_ =	swait.eq [sflag:s15], $0x1  }
0x94: {  	[sflag:s15] =	ssyncset.done $0x0  }
0x95: {  	[sflag:s15] =	ssyncadd.s32 $0xFFFFFFFF  }
0x96: {  	s16 =	sld [smem:$0x10];
	(tm) =	ssettm $0x1  }
0x97: {  	s17 =	sld [smem:$0x3FFB];
	_ =	sdelay $0x3  }
0x98: {  	_ =	strace s17  }
0x99: {  	s3 =	sld [smem:$0x3FFC];
	_ =	sdelay $0x3  }
0x9a: {  	_ =	strace s3  }
0x9b: {  	s3 =	sld [smem:$0x3FFD];
	_ =	sdelay $0x3  }
0x9c: {  	_ =	strace s3  }
0x9d: {  	_ =	strace $0x8FFFFFFF  }
0x9e: {  	s18 =	sld [smem:$0x3FDB];
	_ =	sdelay $0x1  }
0x9f: {  	s19 =	simm.s32 $_scs_section_size  }
0xa0: {  	s5 =	simm.s32 $_size__tile_overlayer_lowered;
	s6 =	simm.s32 $_tile_overlayer_lowered  }
0xa1: {  	s22 =	simm.s32 $0x1BFF;
	s21 =	sshll.u32 s6, $0x1;
	s3 =	sadd.s32 s19, s18  }
0xa2: {  	s7 =	simm.s32 $0x0;
	s20 =	sshll.u32 s5, $0x1;
	s5 =	sadd.s32 s21, s3  }
0xa3: {  	[timem:s7], [sflag:s22] =	dma.local [hbm:s5], s20  }
0xa4: {  	_ =	swait.ge [sflag:s22], s20  }
0xa5: {  	s4 =	ssub.s32 $0x0, s20;
	[sflag:s22] =	ssyncset.done $0x0  }
0xa6: {  	[sflag:s22] =	ssyncadd.s32 s4;
	_ =	sdelay $0x1  }
0xa7: {  	s23 =	simm.s32 $0x1B8B  }
0xa8: {  	_ =	swait.ge [sflag:s23], $0x1  }
0xa9: {  	[sflag:s23] =	ssyncset.done $0x0  }
0xaa: {  	s25 =	simm.s32 $0x1B8E;
	s24 =	sld [smem:$0x3FFE];
	[sflag:s23] =	ssyncadd.s32 $0xFFFFFFFF  }
0xab: {  	s26 =	simm.s32 $execute0_lowered;
	[smem:$0x3FD2] =	sst s25  }
0xac: {  	s5 =	sshll.u32 s26, $0x1;
	_ =	strace $0x80000049;
	[dreg:$0x1] =	wrdreg $0xFFFFFFFF  }
0xad: {  	s28 =	simm.s32 $_size_execute0_lowered;
	s3 =	sadd.s32 s3, s5;
	[dreg:$0x0] =	wrdreg $0x0  }
0xae: {  	s5 =	sshll.u32 s28, $0x1;
	[dreg:$0x2] =	wrdreg s3  }
0xaf: {  	[dreg:$0x3] =	wrdreg s5  }
0xb0: {  	[dreg:$0x4] =	wrdreg $0xC0  }
0xb1: {  	_ =	task [dreg:s7], $0x5FFFF  }
0xb2: {  	[dreg:$0x1] =	wrdreg $0xFFFFFFFF  }
0xb3: {  	[dreg:$0x0] =	wrdreg $0x60  }
0xb4: {  	[dreg:$0x2] =	wrdreg s24  }
0xb5: {  	[dreg:$0x3] =	wrdreg s16  }
0xb6: {  	[dreg:$0x4] =	wrdreg $0x9  }
0xb7: {  	_ =	task.clear_ibuf [dreg:s7], $0x5FFFF;
	_ =	strace $0x90000049  }
0xb8: {  	s29 =	simm.s32 $0x9;
	_ =	strace $0x8000004B  }
0xb9: {  	_ =	swait.ge [sflag:s29], $0x1  }
0xba: {  	[sflag:s29] =	ssyncadd.s32 $0xFFFFFFFF  }
0xbb: {  	_ =	strace $0x9000004B  }
0xbc: {  	_ =	sfence  }
0xbd: {  	s30 =	sld [smem:$0x0];
	_ =	sdelay $0x2  }
0xbe: {  	s31 =	sshll.u32 s1, $0xD;
	s1 =	sshrl.u32 s1, $0x2  }
0xbf: {  	s3 =	sand.u32 $0x4000, s31;
	s1 =	sadd.s32 s1, s30  }
0xc0: {  	s0 =	sor.u32 s3, s0;
	s1 =	sshll.u32 s1, $0x11  }
0xc1: {  	s0 =	sor.u32 s1, s0  }
0xc2: {  	s0 =	sadd.s32 $0x8F2B, s0  }
0xc3: {  	[sflag:s0] =	ssyncadd.remote.s32 $0x1  }
0xc4: {  	_ =	sfence.sel $0xFFFF  }
0xc5: {  	[dreg:$0x0] =	wrdreg $0xFFFFFFFF;
	(pc) =	sbr.abs _section_cstart, $3  }
0xc6: {  	[dreg:$0x1] =	wrdreg $0xFFFFFFFF  }
0xc7: {  	_ =	task.clear_ibuf [dreg:s7], $0x2FFFF;
	_ =	strace $0x9FFFFFFF  }
0xc8: {  	(tm) =	ssettm $0x7FFFFFFF  }
0xc9: {  	_ =	shalt  }
tec
execute0_lowered:
.L_overlay_start_1:
0x0: {  	(tag) =	ssettag $0x1  }
0x1: {  	s1 =	srdreg.scid;
	s0 =	stileid.u32  }
0x2: {  	s8 =	rddreg [dreg:$0x0];
	s6 =	sand.u32 $0x1, s1;
	s30 =	sshll.u32 s0, $0x1  }
0x3: {  	s3 =	rddreg [dreg:$0x1];
	s2 =	simm.s32 $0x0;
	s9 =	sor.u32 s6, s30  }
0x4: {  	[smem:$0x7FF] =	sst s2;
	s4 =	smul.u32 $0x14, s9  }
0x5: {  	s1 =	rddreg [dreg:$0x2];
	_ =	strace $0x8000004A  }
0x6: {  	s10 =	ssub.s32 $0x2, s6;
	s4 =	sadd.s32 s3, s4;
	s3 =	simm.s32 $0x2  }
0x7: {  	[tilespmem:s2], [sflag:$0x2] =	stream.linear.gather [hbm4b:s4+s2], $0xA0, $0x38;
	[tilespmem:$0xAA0] =	vst v63  }
0x8: {  	s7 =	simm.s32 $0x1;
	s11 =	sshrl.u32 s10, $0x1;
	_ =	swait.ge [sflag:s3], $0xA0  }
0x9: {  	s5 =	sadd.s32 $0x18AE00, s8;
	s10 =	ssub.s32 s10, s11;
	[sflag:s3] =	ssyncset.done $0x0  }
0xa: {  	s6 =	simm.s32 $0xA0;
	s31 =	smax.u32 s10, $0x1;
	[sflag:s3] =	ssyncadd.s32 $0xFFFFFF60  }
0xb: {  	[tilespmem:s6], [sflag:$0x1] =	stream.indirect.gather [hbm4b:s5+s6], $0x10, s2, s6, $0xb8;
	[tilespmem:$0xAA0] =	vst v63  }
0xc: {  	s9 =	smul.u32 $0x140, s9;
	p0 =	sne.s32 s31, $0x1;
	_ =	swait.ge [sflag:s7], $0xA00  }
.Ltmp0:
0xd: {  	[sflag:s7] =	ssyncset.done $0x0;
	(pc) =	sbr.rel @!p0 .LBB2_2-.Ltmp0, $4  }
0xe: {  	s8 =	sadd.s32 s8, s9;
	[sflag:s7] =	ssyncadd.s32 $0xFFFFF600  }
0xf: {  	[hbm4b:s8+s2] =	stream.linear.scatter [tilespmem:s6], [sflag:$0x2], $0xA00, $0x38;
	[tilespmem:$0xAA0] =	vst v63  }
0x10: {  	_ =	swait.ge [sflag:s3], $0xA00  }
0x11: {  	s9 =	sadd.s32 $0xFFFFFFFF, s31;
	[sflag:s3] =	ssyncset.done $0x0  }
.LBB2_1:
0x12: {  	p0 =	sne.s32 s9, $0x1;
	s9 =	sadd.s32 $0xFFFFFFFF, s9;
	[sflag:s3] =	ssyncadd.s32 $0xFFFFF600  }
0x13: {  	[tilespmem:s2], [sflag:$0x2] =	stream.linear.gather [hbm4b:s4+s2], $0xA0, $0x38;
	[tilespmem:$0xAA0] =	vst v63  }
0x14: {  	_ =	swait.ge [sflag:s3], $0xA0  }
0x15: {  	[sflag:s3] =	ssyncset.done $0x0  }
0x16: {  	[sflag:s3] =	ssyncadd.s32 $0xFFFFFF60  }
0x17: {  	[tilespmem:s6], [sflag:$0x1] =	stream.indirect.gather [hbm4b:s5+s6], $0x10, s2, s6, $0xb8;
	[tilespmem:$0xAA0] =	vst v63  }
0x18: {  	_ =	swait.ge [sflag:s7], $0xA00  }
.Ltmp1:
0x19: {  	[sflag:s7] =	ssyncset.done $0x0;
	(pc) =	sbr.rel @p0 .LBB2_1-.Ltmp1, $4  }
0x1a: {  	[sflag:s7] =	ssyncadd.s32 $0xFFFFF600  }
0x1b: {  	[hbm4b:s8+s2] =	stream.linear.scatter [tilespmem:s6], [sflag:$0x2], $0xA00, $0x38;
	[tilespmem:$0xAA0] =	vst v63  }
0x1c: {  	_ =	swait.ge [sflag:s3], $0xA00  }
0x1d: {  	[sflag:s3] =	ssyncset.done $0x0  }
.LBB2_2:
0x1e: {  	[sflag:s3] =	ssyncadd.s32 $0xFFFFF600  }
0x1f: {  	_ =	sfence.sel $0x180000  }
0x20: {  	[bflag:$0x0] =	sbarrier.arrive $0xFFFF  }
0x21: {  	p0 =	sne.s32 s0, $0x0;
	_ =	strace $0x9000004A  }
0x22: {  	s0 =	sadd.s32 @!p0 $0x100000, s1;
	[bflag:$0x2] =	sbarrier.arrive $0xFFFF  }
0x23: {  	[sflag:s0] =	ssyncadd.tile.s32 @!p0 $0x1;
	_ =	shalt  }
.Lfunc_end2:
_tile_overlayer_lowered:
.L_overlay_start_2:
0x24: {  	(tag) =	ssettag $0x2  }
0x25: {  	s0 =	rddreg [dreg:$0x0];
	s2 =	stileid.u32  }
0x26: {  	s1 =	rddreg [dreg:$0x1];
	p0 =	sne.s32 s2, $0x0  }
0x27: {  	s3 =	rddreg [dreg:$0x2];
	[bflag:$0x3] =	sbarrier.arrive $0xFFFF;
	s2 =	simm.s32 @!p0 $0x1C02  }
0x28: {  	[timem:s3], [sflag:s2] =	dma.local @!p0 [hbm:s0], s1  }
0x29: {  	s0 =	simm.s32 @!p0 $0x2  }
0x2a: {  	_ =	swait.ge @!p0 [sflag:s0], s1  }
0x2b: {  	s1 =	ssub.s32 @!p0 $0x0, s1;
	[sflag:s0] =	ssyncset.done @!p0 $0x0  }
0x2c: {  	[sflag:s0] =	ssyncadd.s32 @!p0 s1  }
0x2d: {  	[bflag:$0x3] =	sbarrier.arrive $0xFFFF  }
0x2e: {  	_ =	shalt  }

</sc_bundles>
